<compile_context>
chip_gen: v7x
topology: tpu7x:2x2x1
jax: 0.10.2.dev20260603
libtpu: 0.0.44.dev20260713+nightly
codegen_flags: <defaults>
</compile_context>

<pallas_src>
import functools

import jax
import jax.numpy as jnp
from jax import lax
from jax.experimental import pallas as pl
from jax.experimental.pallas import tpu as pltpu
from jax.experimental.pallas import tpu_sc as plsc

_PERIODS = (64, 256, 1024, 8192)
_D = 2048
_Q = 8192
_BQ = 128
_K = 16



def _shifted_rows(ref, start, nrows):
    aligned = pl.multiple_of((start // 8) * 8, 8)
    r = start % 8
    n = nrows + 8
    chunk = ref[pl.ds(aligned, n), :]
    rolled = pltpu.roll(chunk, (n - r) % n, axis=0)
    return rolled[:nrows, :]


def _combine_body(s_ref, w0d_ref, w1d_ref, w2d_ref, w3_ref, u_ref):
    b = pl.program_id(0)
    q0 = b * _BQ
    st0 = s_ref[0]
    st1 = (q0 + s_ref[1]) % _PERIODS[1]
    st2 = (q0 + s_ref[2]) % _PERIODS[2]
    w0blk = _shifted_rows(w0d_ref, st0, _PERIODS[0])
    acc = w3_ref[...] + _shifted_rows(w2d_ref, st2, _BQ)
    acc = acc + _shifted_rows(w1d_ref, st1, _BQ)
    acc = acc + jnp.concatenate([w0blk, w0blk], axis=0)
    u_ref[...] = acc


def _build_u(shifts, W0d, W1d, W2d, W3):
    return pl.pallas_call(
        _combine_body,
        grid=(_Q // _BQ,),
        in_specs=[
            pl.BlockSpec(memory_space=pltpu.SMEM),
            pl.BlockSpec((2 * _PERIODS[0], _D), lambda b: (0, 0)),
            pl.BlockSpec((2 * _PERIODS[1], _D), lambda b: (0, 0)),
            pl.BlockSpec((2 * _PERIODS[2], _D), lambda b: (0, 0)),
            pl.BlockSpec((_BQ, _D), lambda b: (b, 0)),
        ],
        out_specs=pl.BlockSpec((_BQ, _D), lambda b: (b, 0)),
        out_shape=jax.ShapeDtypeStruct((_Q, _D), jnp.float32),
    )(shifts, W0d, W1d, W2d, W3)



def _gather_rows(U, idx, n_rows, b_per_w):
    n_chunks = b_per_w // _K

    mesh = plsc.VectorSubcoreMesh(core_axis_name="c", subcore_axis_name="s")

    @functools.partial(
        pl.kernel,
        mesh=mesh,
        out_type=jax.ShapeDtypeStruct((n_rows, _D), jnp.float32),
        scratch_types=[
            pltpu.VMEM((b_per_w,), jnp.int32),
            pltpu.VMEM((2, _K, _D), jnp.float32),
            pltpu.SemaphoreType.DMA((2,)),
        ],
    )
    def gather_kernel(u_hbm, idx_hbm, out_hbm, idx_v, rows_v, gsem):
        n_cores = lax.axis_size("c")
        wid = lax.axis_index("s") * n_cores + lax.axis_index("c")
        base = wid * b_per_w
        pltpu.sync_copy(idx_hbm.at[pl.ds(base, b_per_w)], idx_v)

        def start_gather(c, buf):
            pltpu.async_copy(
                u_hbm.at[idx_v.at[pl.ds(c * _K, _K)]],
                rows_v.at[buf], gsem.at[buf])

        def wait_gather(c, buf):
            pltpu.make_async_copy(
                u_hbm.at[idx_v.at[pl.ds(c * _K, _K)]],
                rows_v.at[buf], gsem.at[buf]).wait()

        def write_out(c, buf):
            pltpu.sync_copy(rows_v.at[buf], out_hbm.at[pl.ds(base + c * _K, _K)])

        start_gather(0, 0)

        def body(i, _):
            c0 = 2 * i
            c1 = c0 + 1
            c2 = jnp.minimum(c0 + 2, n_chunks - 1)
            start_gather(c1, 1)
            wait_gather(c0, 0)
            write_out(c0, 0)
            start_gather(c2, 0)
            wait_gather(c1, 1)
            write_out(c1, 1)
            return 0

        lax.fori_loop(0, n_chunks // 2, body, 0)
        wait_gather(n_chunks - 1, 0)

    return gather_kernel(U, idx)



def kernel(pos, offsets, W0, W1, W2, W3):
    periods = jnp.asarray(_PERIODS, dtype=jnp.int32)
    shifts = (offsets - offsets[3]) % periods
    W0d = jnp.concatenate([W0, W0], axis=0)
    W1d = jnp.concatenate([W1, W1], axis=0)
    W2d = jnp.concatenate([W2, W2], axis=0)
    U = _build_u(shifts, W0d, W1d, W2d, W3)

    n_rows = pos.shape[0] * pos.shape[1]
    idx = (pos.reshape(n_rows) + offsets[3]) % _Q
    b_per_w = n_rows // 32
    out = _gather_rows(U, idx.astype(jnp.int32), n_rows, b_per_w)
    return out.reshape(pos.shape[0], pos.shape[1], _D)

# --- scband reference (transcript-rebuilt; emitter-appended) ---
"""Pipeline reference for scband-cyclic-absolute-position-embedding-42013370090006 (READ-ONLY COPY).

The authoritative reference and input builder live on the scoring server;
editing this copy changes nothing except your own understanding.
"""

import jax, jax.numpy as jnp
import numpy as np

PERIODS = (64, 256, 1024, 8192)
N_EMBD = 2048


def setup_inputs(seed: int = 0) -> dict:
    key = jax.random.key(seed)
    ks = jax.random.split(key, 1 + len(PERIODS))
    pos = jax.random.randint(ks[0], (4, 8192), 0, 8192, dtype=jnp.int32)
    # random start offsets (one per channel), fixed buffer
    rng = np.random.RandomState(0)
    offsets = jnp.asarray([int(rng.randint(0, p)) for p in PERIODS], dtype=jnp.int32)
    inp = {"pos": pos, "offsets": offsets}
    for i, p in enumerate(PERIODS):
        inp[f"W{i}"] = jax.random.normal(ks[1 + i], (p, N_EMBD), dtype=jnp.float32) * 0.02
    return inp


def reference(pos, offsets, W0, W1, W2, W3):
    tables = (W0, W1, W2, W3)
    out = None
    for i, (period, W) in enumerate(zip(PERIODS, tables)):
        idx = (pos + offsets[i]) % period
        channel_out = jnp.take(W, idx, axis=0)
        out = channel_out if out is None else out + channel_out
    return out

if __name__ == "__main__":
    import jax
    _d = setup_inputs()
    print(jax.jit(kernel)(*tuple(_d.values())))

</pallas_src>

<mosaic_0001>
#map = affine_map<(d0, d1) -> (0, 0)>
#map1 = affine_map<(d0, d1) -> (0)>
module attributes {stable_mosaic.version = 14 : i64} {
  func.func @gather_kernel(%arg0: i32, %arg1: i32, %arg2: memref<8192x2048xf32, #tpu.memory_space<hbm>>, %arg3: memref<32768xi32, #tpu.memory_space<hbm>>, %arg4: memref<32768x2048xf32, #tpu.memory_space<hbm>>, %arg5: memref<1024xi32, #tpu.memory_space<vmem>>, %arg6: memref<2x16x2048xf32, #tpu.memory_space<vmem>>, %arg7: memref<2x!tpu.dma_semaphore, #tpu.memory_space<semaphore_mem>>) attributes {dimension_semantics = [#tpu.dimension_semantics<core_parallel>, #tpu.dimension_semantics<subcore_parallel>], iteration_bounds = array<i64: 2, 16>, scalar_prefetch = 0 : i64, scratch_operands = 3 : i64, tpu.core_type = #tpu.core_type<sc_vector_subcore>, window_params = [{transform_indices = #map}, {transform_indices = #map1}, {transform_indices = #map}]} {
    %mul3A = arith.constant 2 : i32
    %mul3A_0 = arith.muli %arg1, %mul3A : i32
    %add3A = arith.addi %mul3A_0, %arg0 : i32
    %mul3A_1 = arith.constant 1024 : i32
    %mul3A_2 = arith.muli %add3A, %mul3A_1 : i32
    "tpu.region"() ({
      %run_scoped3A = tpu.sem_alloc : memref<!tpu.dma_semaphore, #tpu.memory_space<semaphore_mem>>
      %dma_start3A_33 = tpu.memref_slice %arg3[%mul3A_2] : memref<32768xi32, #tpu.memory_space<hbm>> -> memref<1024xi32, #tpu.memory_space<hbm>>
      %dma_start3A_34 = tpu.memref_slice %arg3[%mul3A_2] : memref<32768xi32, #tpu.memory_space<hbm>> -> memref<1024xi32, #tpu.memory_space<hbm>>
      tpu.enqueue_dma source(%dma_start3A_34 : memref<1024xi32, #tpu.memory_space<hbm>>) target(%arg5 : memref<1024xi32, #tpu.memory_space<vmem>>) target_semaphore(%run_scoped3A : memref<!tpu.dma_semaphore, #tpu.memory_space<semaphore_mem>>)
      %dma_wait3A_35 = tpu.memref_slice %arg3[%mul3A_2] : memref<32768xi32, #tpu.memory_space<hbm>> -> memref<1024xi32, #tpu.memory_space<hbm>>
      %dma_wait3A_36 = tpu.memref_slice %arg3[%mul3A_2] : memref<32768xi32, #tpu.memory_space<hbm>> -> memref<1024xi32, #tpu.memory_space<hbm>>
      tpu.wait_dma2 semaphore(%run_scoped3A : memref<!tpu.dma_semaphore, #tpu.memory_space<semaphore_mem>>) src(%dma_wait3A_36 : memref<1024xi32, #tpu.memory_space<hbm>>) dst(%arg5 : memref<1024xi32, #tpu.memory_space<vmem>>)
      tpu.yield
    }) : () -> ()
    %dma_start3A = arith.constant 0 : i32
    %dma_start3A_3 = arith.constant 0 : i32
    %dma_start3A_4 = arith.constant 0 : i32
    %dma_start3A_5 = arith.constant 0 : i32
    %dma_start3A_6 = tpu.memref_slice %arg6[%dma_start3A, %dma_start3A_4, %dma_start3A_5] : memref<2x16x2048xf32, #tpu.memory_space<vmem>> -> memref<1x16x2048xf32, #tpu.memory_space<vmem>>
    %dma_start3A_7 = tpu.memref_squeeze %dma_start3A_6 : memref<1x16x2048xf32, #tpu.memory_space<vmem>> -> memref<16x2048xf32, #tpu.memory_space<vmem>>
    %dma_start3A_8 = arith.constant 0 : i32
    %dma_start3A_9 = tpu.memref_slice %arg5[%dma_start3A_8] : memref<1024xi32, #tpu.memory_space<vmem>> -> memref<16xi32, #tpu.memory_space<vmem>>
    %dma_start3A_10 = arith.constant 0 : i32
    %dma_start3A_11 = arith.constant 0 : i32
    %dma_start3A_12 = tpu.memref_slice %arg2[%dma_start3A_10, %dma_start3A_11] : memref<8192x2048xf32, #tpu.memory_space<hbm>> -> memref<8192x2048xf32, #tpu.memory_space<hbm>>
    %dma_start3A_13 = tpu.memref_slice %arg7[%dma_start3A_3] : memref<2x!tpu.dma_semaphore, #tpu.memory_space<semaphore_mem>> -> memref<1x!tpu.dma_semaphore, #tpu.memory_space<semaphore_mem>>
    %dma_start3A_14 = tpu.memref_squeeze %dma_start3A_13 : memref<1x!tpu.dma_semaphore, #tpu.memory_space<semaphore_mem>> -> memref<!tpu.dma_semaphore, #tpu.memory_space<semaphore_mem>>
    tpu.enqueue_indirect_dma source(%dma_start3A_12 : memref<8192x2048xf32, #tpu.memory_space<hbm>>) target(%dma_start3A_7 : memref<16x2048xf32, #tpu.memory_space<vmem>>) offsets(%dma_start3A_9 : memref<16xi32, #tpu.memory_space<vmem>>) semaphore(%dma_start3A_14 : memref<!tpu.dma_semaphore, #tpu.memory_space<semaphore_mem>>)
    %scan3A = arith.constant 0 : i32
    %scan3A_15 = arith.constant 0 : i32
    %scan3A_16 = arith.constant 32 : i32
    %scan3A_17 = arith.addi %scan3A_15, %scan3A_16 : i32
    %scan3A_18 = arith.constant 1 : i32
    %scan3A_19 = scf.for %scan3A_33 = %scan3A_15 to %scan3A_17 step %scan3A_18 iter_args(%scan3A_34 = %scan3A) -> (i32)  : i32 {
      %mul3A_35 = arith.constant 2 : i32
      %mul3A_36 = arith.muli %mul3A_35, %scan3A_33 : i32
      %add3A_37 = arith.constant 1 : i32
      %add3A_38 = arith.addi %mul3A_36, %add3A_37 : i32
      %add3A_39 = arith.constant 2 : i32
      %add3A_40 = arith.addi %mul3A_36, %add3A_39 : i32
      %min3A = arith.constant 63 : i32
      %min3A_41 = arith.minsi %add3A_40, %min3A : i32
      %mul3A_42 = arith.constant 16 : i32
      %mul3A_43 = arith.muli %add3A_38, %mul3A_42 : i32
      %dma_start3A_44 = arith.constant 1 : i32
      %dma_start3A_45 = arith.constant 1 : i32
      %dma_start3A_46 = arith.constant 0 : i32
      %dma_start3A_47 = arith.constant 0 : i32
      %dma_start3A_48 = tpu.memref_slice %arg6[%dma_start3A_44, %dma_start3A_46, %dma_start3A_47] : memref<2x16x2048xf32, #tpu.memory_space<vmem>> -> memref<1x16x2048xf32, #tpu.memory_space<vmem>>
      %dma_start3A_49 = tpu.memref_squeeze %dma_start3A_48 : memref<1x16x2048xf32, #tpu.memory_space<vmem>> -> memref<16x2048xf32, #tpu.memory_space<vmem>>
      %dma_start3A_50 = tpu.memref_slice %arg5[%mul3A_43] : memref<1024xi32, #tpu.memory_space<vmem>> -> memref<16xi32, #tpu.memory_space<vmem>>
      %dma_start3A_51 = arith.constant 0 : i32
      %dma_start3A_52 = arith.constant 0 : i32
      %dma_start3A_53 = tpu.memref_slice %arg2[%dma_start3A_51, %dma_start3A_52] : memref<8192x2048xf32, #tpu.memory_space<hbm>> -> memref<8192x2048xf32, #tpu.memory_space<hbm>>
      %dma_start3A_54 = tpu.memref_slice %arg7[%dma_start3A_45] : memref<2x!tpu.dma_semaphore, #tpu.memory_space<semaphore_mem>> -> memref<1x!tpu.dma_semaphore, #tpu.memory_space<semaphore_mem>>
      %dma_start3A_55 = tpu.memref_squeeze %dma_start3A_54 : memref<1x!tpu.dma_semaphore, #tpu.memory_space<semaphore_mem>> -> memref<!tpu.dma_semaphore, #tpu.memory_space<semaphore_mem>>
      tpu.enqueue_indirect_dma source(%dma_start3A_53 : memref<8192x2048xf32, #tpu.memory_space<hbm>>) target(%dma_start3A_49 : memref<16x2048xf32, #tpu.memory_space<vmem>>) offsets(%dma_start3A_50 : memref<16xi32, #tpu.memory_space<vmem>>) semaphore(%dma_start3A_55 : memref<!tpu.dma_semaphore, #tpu.memory_space<semaphore_mem>>)
      %mul3A_56 = arith.constant 16 : i32
      %mul3A_57 = arith.muli %mul3A_36, %mul3A_56 : i32
      %dma_wait3A_58 = arith.constant 0 : i32
      %dma_wait3A_59 = arith.constant 0 : i32
      %dma_wait3A_60 = arith.constant 0 : i32
      %dma_wait3A_61 = arith.constant 0 : i32
      %dma_wait3A_62 = tpu.memref_slice %arg6[%dma_wait3A_58, %dma_wait3A_60, %dma_wait3A_61] : memref<2x16x2048xf32, #tpu.memory_space<vmem>> -> memref<1x16x2048xf32, #tpu.memory_space<vmem>>
      %dma_wait3A_63 = tpu.memref_squeeze %dma_wait3A_62 : memref<1x16x2048xf32, #tpu.memory_space<vmem>> -> memref<16x2048xf32, #tpu.memory_space<vmem>>
      %dma_wait3A_64 = tpu.memref_slice %arg5[%mul3A_57] : memref<1024xi32, #tpu.memory_space<vmem>> -> memref<16xi32, #tpu.memory_space<vmem>>
      %dma_wait3A_65 = arith.constant 0 : i32
      %dma_wait3A_66 = arith.constant 0 : i32
      %dma_wait3A_67 = tpu.memref_slice %arg2[%dma_wait3A_65, %dma_wait3A_66] : memref<8192x2048xf32, #tpu.memory_space<hbm>> -> memref<8192x2048xf32, #tpu.memory_space<hbm>>
      %dma_wait3A_68 = tpu.memref_slice %arg7[%dma_wait3A_59] : memref<2x!tpu.dma_semaphore, #tpu.memory_space<semaphore_mem>> -> memref<1x!tpu.dma_semaphore, #tpu.memory_space<semaphore_mem>>
      %dma_wait3A_69 = tpu.memref_squeeze %dma_wait3A_68 : memref<1x!tpu.dma_semaphore, #tpu.memory_space<semaphore_mem>> -> memref<!tpu.dma_semaphore, #tpu.memory_space<semaphore_mem>>
      tpu.wait_indirect_dma semaphore(%dma_wait3A_69 : memref<!tpu.dma_semaphore, #tpu.memory_space<semaphore_mem>>) src(%dma_wait3A_67 : memref<8192x2048xf32, #tpu.memory_space<hbm>>) dst(%dma_wait3A_63 : memref<16x2048xf32, #tpu.memory_space<vmem>>)
      %mul3A_70 = arith.constant 16 : i32
      %mul3A_71 = arith.muli %mul3A_36, %mul3A_70 : i32
      %add3A_72 = arith.addi %mul3A_2, %mul3A_71 : i32
      %run_scoped3A = arith.constant 0 : i32
      "tpu.region"() ({
        %run_scoped3A_106 = tpu.sem_alloc : memref<!tpu.dma_semaphore, #tpu.memory_space<semaphore_mem>>
        %dma_start3A_107 = arith.constant 0 : i32
        %dma_start3A_108 = arith.constant 0 : i32
        %dma_start3A_109 = tpu.memref_slice %arg6[%run_scoped3A, %dma_start3A_107, %dma_start3A_108] : memref<2x16x2048xf32, #tpu.memory_space<vmem>> -> memref<1x16x2048xf32, #tpu.memory_space<vmem>>
        %dma_start3A_110 = tpu.memref_squeeze %dma_start3A_109 : memref<1x16x2048xf32, #tpu.memory_space<vmem>> -> memref<16x2048xf32, #tpu.memory_space<vmem>>
        %dma_start3A_111 = arith.constant 0 : i32
        %dma_start3A_112 = tpu.memref_slice %arg4[%add3A_72, %dma_start3A_111] : memref<32768x2048xf32, #tpu.memory_space<hbm>> -> memref<16x2048xf32, #tpu.memory_space<hbm>>
        %dma_start3A_113 = arith.constant 0 : i32
        %dma_start3A_114 = tpu.memref_slice %arg4[%add3A_72, %dma_start3A_113] : memref<32768x2048xf32, #tpu.memory_space<hbm>> -> memref<16x2048xf32, #tpu.memory_space<hbm>>
        %dma_start3A_115 = arith.constant 0 : i32
        %dma_start3A_116 = arith.constant 0 : i32
        %dma_start3A_117 = tpu.memref_slice %arg6[%run_scoped3A, %dma_start3A_115, %dma_start3A_116] : memref<2x16x2048xf32, #tpu.memory_space<vmem>> -> memref<1x16x2048xf32, #tpu.memory_space<vmem>>
        %dma_start3A_118 = tpu.memref_squeeze %dma_start3A_117 : memref<1x16x2048xf32, #tpu.memory_space<vmem>> -> memref<16x2048xf32, #tpu.memory_space<vmem>>
        tpu.enqueue_dma source(%dma_start3A_118 : memref<16x2048xf32, #tpu.memory_space<vmem>>) target(%dma_start3A_114 : memref<16x2048xf32, #tpu.memory_space<hbm>>) target_semaphore(%run_scoped3A_106 : memref<!tpu.dma_semaphore, #tpu.memory_space<semaphore_mem>>)
        %dma_wait3A_119 = arith.constant 0 : i32
        %dma_wait3A_120 = arith.constant 0 : i32
        %dma_wait3A_121 = tpu.memref_slice %arg6[%run_scoped3A, %dma_wait3A_119, %dma_wait3A_120] : memref<2x16x2048xf32, #tpu.memory_space<vmem>> -> memref<1x16x2048xf32, #tpu.memory_space<vmem>>
        %dma_wait3A_122 = tpu.memref_squeeze %dma_wait3A_121 : memref<1x16x2048xf32, #tpu.memory_space<vmem>> -> memref<16x2048xf32, #tpu.memory_space<vmem>>
        %dma_wait3A_123 = arith.constant 0 : i32
        %dma_wait3A_124 = tpu.memref_slice %arg4[%add3A_72, %dma_wait3A_123] : memref<32768x2048xf32, #tpu.memory_space<hbm>> -> memref<16x2048xf32, #tpu.memory_space<hbm>>
        %dma_wait3A_125 = arith.constant 0 : i32
        %dma_wait3A_126 = tpu.memref_slice %arg4[%add3A_72, %dma_wait3A_125] : memref<32768x2048xf32, #tpu.memory_space<hbm>> -> memref<16x2048xf32, #tpu.memory_space<hbm>>
        %dma_wait3A_127 = arith.constant 0 : i32
        %dma_wait3A_128 = arith.constant 0 : i32
        %dma_wait3A_129 = tpu.memref_slice %arg6[%run_scoped3A, %dma_wait3A_127, %dma_wait3A_128] : memref<2x16x2048xf32, #tpu.memory_space<vmem>> -> memref<1x16x2048xf32, #tpu.memory_space<vmem>>
        %dma_wait3A_130 = tpu.memref_squeeze %dma_wait3A_129 : memref<1x16x2048xf32, #tpu.memory_space<vmem>> -> memref<16x2048xf32, #tpu.memory_space<vmem>>
        tpu.wait_dma2 semaphore(%run_scoped3A_106 : memref<!tpu.dma_semaphore, #tpu.memory_space<semaphore_mem>>) src(%dma_wait3A_130 : memref<16x2048xf32, #tpu.memory_space<vmem>>) dst(%dma_wait3A_126 : memref<16x2048xf32, #tpu.memory_space<hbm>>)
        tpu.yield
      }) : () -> ()
      %mul3A_73 = arith.constant 16 : i32
      %mul3A_74 = arith.muli %min3A_41, %mul3A_73 : i32
      %dma_start3A_75 = arith.constant 0 : i32
      %dma_start3A_76 = arith.constant 0 : i32
      %dma_start3A_77 = arith.constant 0 : i32
      %dma_start3A_78 = arith.constant 0 : i32
      %dma_start3A_79 = tpu.memref_slice %arg6[%dma_start3A_75, %dma_start3A_77, %dma_start3A_78] : memref<2x16x2048xf32, #tpu.memory_space<vmem>> -> memref<1x16x2048xf32, #tpu.memory_space<vmem>>
      %dma_start3A_80 = tpu.memref_squeeze %dma_start3A_79 : memref<1x16x2048xf32, #tpu.memory_space<vmem>> -> memref<16x2048xf32, #tpu.memory_space<vmem>>
      %dma_start3A_81 = tpu.memref_slice %arg5[%mul3A_74] : memref<1024xi32, #tpu.memory_space<vmem>> -> memref<16xi32, #tpu.memory_space<vmem>>
      %dma_start3A_82 = arith.constant 0 : i32
      %dma_start3A_83 = arith.constant 0 : i32
      %dma_start3A_84 = tpu.memref_slice %arg2[%dma_start3A_82, %dma_start3A_83] : memref<8192x2048xf32, #tpu.memory_space<hbm>> -> memref<8192x2048xf32, #tpu.memory_space<hbm>>
      %dma_start3A_85 = tpu.memref_slice %arg7[%dma_start3A_76] : memref<2x!tpu.dma_semaphore, #tpu.memory_space<semaphore_mem>> -> memref<1x!tpu.dma_semaphore, #tpu.memory_space<semaphore_mem>>
      %dma_start3A_86 = tpu.memref_squeeze %dma_start3A_85 : memref<1x!tpu.dma_semaphore, #tpu.memory_space<semaphore_mem>> -> memref<!tpu.dma_semaphore, #tpu.memory_space<semaphore_mem>>
      tpu.enqueue_indirect_dma source(%dma_start3A_84 : memref<8192x2048xf32, #tpu.memory_space<hbm>>) target(%dma_start3A_80 : memref<16x2048xf32, #tpu.memory_space<vmem>>) offsets(%dma_start3A_81 : memref<16xi32, #tpu.memory_space<vmem>>) semaphore(%dma_start3A_86 : memref<!tpu.dma_semaphore, #tpu.memory_space<semaphore_mem>>)
      %mul3A_87 = arith.constant 16 : i32
      %mul3A_88 = arith.muli %add3A_38, %mul3A_87 : i32
      %dma_wait3A_89 = arith.constant 1 : i32
      %dma_wait3A_90 = arith.constant 1 : i32
      %dma_wait3A_91 = arith.constant 0 : i32
      %dma_wait3A_92 = arith.constant 0 : i32
      %dma_wait3A_93 = tpu.memref_slice %arg6[%dma_wait3A_89, %dma_wait3A_91, %dma_wait3A_92] : memref<2x16x2048xf32, #tpu.memory_space<vmem>> -> memref<1x16x2048xf32, #tpu.memory_space<vmem>>
      %dma_wait3A_94 = tpu.memref_squeeze %dma_wait3A_93 : memref<1x16x2048xf32, #tpu.memory_space<vmem>> -> memref<16x2048xf32, #tpu.memory_space<vmem>>
      %dma_wait3A_95 = tpu.memref_slice %arg5[%mul3A_88] : memref<1024xi32, #tpu.memory_space<vmem>> -> memref<16xi32, #tpu.memory_space<vmem>>
      %dma_wait3A_96 = arith.constant 0 : i32
      %dma_wait3A_97 = arith.constant 0 : i32
      %dma_wait3A_98 = tpu.memref_slice %arg2[%dma_wait3A_96, %dma_wait3A_97] : memref<8192x2048xf32, #tpu.memory_space<hbm>> -> memref<8192x2048xf32, #tpu.memory_space<hbm>>
      %dma_wait3A_99 = tpu.memref_slice %arg7[%dma_wait3A_90] : memref<2x!tpu.dma_semaphore, #tpu.memory_space<semaphore_mem>> -> memref<1x!tpu.dma_semaphore, #tpu.memory_space<semaphore_mem>>
      %dma_wait3A_100 = tpu.memref_squeeze %dma_wait3A_99 : memref<1x!tpu.dma_semaphore, #tpu.memory_space<semaphore_mem>> -> memref<!tpu.dma_semaphore, #tpu.memory_space<semaphore_mem>>
      tpu.wait_indirect_dma semaphore(%dma_wait3A_100 : memref<!tpu.dma_semaphore, #tpu.memory_space<semaphore_mem>>) src(%dma_wait3A_98 : memref<8192x2048xf32, #tpu.memory_space<hbm>>) dst(%dma_wait3A_94 : memref<16x2048xf32, #tpu.memory_space<vmem>>)
      %mul3A_101 = arith.constant 16 : i32
      %mul3A_102 = arith.muli %add3A_38, %mul3A_101 : i32
      %add3A_103 = arith.addi %mul3A_2, %mul3A_102 : i32
      %run_scoped3A_104 = arith.constant 1 : i32
      "tpu.region"() ({
        %run_scoped3A_106 = tpu.sem_alloc : memref<!tpu.dma_semaphore, #tpu.memory_space<semaphore_mem>>
        %dma_start3A_107 = arith.constant 0 : i32
        %dma_start3A_108 = arith.constant 0 : i32
        %dma_start3A_109 = tpu.memref_slice %arg6[%run_scoped3A_104, %dma_start3A_107, %dma_start3A_108] : memref<2x16x2048xf32, #tpu.memory_space<vmem>> -> memref<1x16x2048xf32, #tpu.memory_space<vmem>>
        %dma_start3A_110 = tpu.memref_squeeze %dma_start3A_109 : memref<1x16x2048xf32, #tpu.memory_space<vmem>> -> memref<16x2048xf32, #tpu.memory_space<vmem>>
        %dma_start3A_111 = arith.constant 0 : i32
        %dma_start3A_112 = tpu.memref_slice %arg4[%add3A_103, %dma_start3A_111] : memref<32768x2048xf32, #tpu.memory_space<hbm>> -> memref<16x2048xf32, #tpu.memory_space<hbm>>
        %dma_start3A_113 = arith.constant 0 : i32
        %dma_start3A_114 = tpu.memref_slice %arg4[%add3A_103, %dma_start3A_113] : memref<32768x2048xf32, #tpu.memory_space<hbm>> -> memref<16x2048xf32, #tpu.memory_space<hbm>>
        %dma_start3A_115 = arith.constant 0 : i32
        %dma_start3A_116 = arith.constant 0 : i32
        %dma_start3A_117 = tpu.memref_slice %arg6[%run_scoped3A_104, %dma_start3A_115, %dma_start3A_116] : memref<2x16x2048xf32, #tpu.memory_space<vmem>> -> memref<1x16x2048xf32, #tpu.memory_space<vmem>>
        %dma_start3A_118 = tpu.memref_squeeze %dma_start3A_117 : memref<1x16x2048xf32, #tpu.memory_space<vmem>> -> memref<16x2048xf32, #tpu.memory_space<vmem>>
        tpu.enqueue_dma source(%dma_start3A_118 : memref<16x2048xf32, #tpu.memory_space<vmem>>) target(%dma_start3A_114 : memref<16x2048xf32, #tpu.memory_space<hbm>>) target_semaphore(%run_scoped3A_106 : memref<!tpu.dma_semaphore, #tpu.memory_space<semaphore_mem>>)
        %dma_wait3A_119 = arith.constant 0 : i32
        %dma_wait3A_120 = arith.constant 0 : i32
        %dma_wait3A_121 = tpu.memref_slice %arg6[%run_scoped3A_104, %dma_wait3A_119, %dma_wait3A_120] : memref<2x16x2048xf32, #tpu.memory_space<vmem>> -> memref<1x16x2048xf32, #tpu.memory_space<vmem>>
        %dma_wait3A_122 = tpu.memref_squeeze %dma_wait3A_121 : memref<1x16x2048xf32, #tpu.memory_space<vmem>> -> memref<16x2048xf32, #tpu.memory_space<vmem>>
        %dma_wait3A_123 = arith.constant 0 : i32
        %dma_wait3A_124 = tpu.memref_slice %arg4[%add3A_103, %dma_wait3A_123] : memref<32768x2048xf32, #tpu.memory_space<hbm>> -> memref<16x2048xf32, #tpu.memory_space<hbm>>
        %dma_wait3A_125 = arith.constant 0 : i32
        %dma_wait3A_126 = tpu.memref_slice %arg4[%add3A_103, %dma_wait3A_125] : memref<32768x2048xf32, #tpu.memory_space<hbm>> -> memref<16x2048xf32, #tpu.memory_space<hbm>>
        %dma_wait3A_127 = arith.constant 0 : i32
        %dma_wait3A_128 = arith.constant 0 : i32
        %dma_wait3A_129 = tpu.memref_slice %arg6[%run_scoped3A_104, %dma_wait3A_127, %dma_wait3A_128] : memref<2x16x2048xf32, #tpu.memory_space<vmem>> -> memref<1x16x2048xf32, #tpu.memory_space<vmem>>
        %dma_wait3A_130 = tpu.memref_squeeze %dma_wait3A_129 : memref<1x16x2048xf32, #tpu.memory_space<vmem>> -> memref<16x2048xf32, #tpu.memory_space<vmem>>
        tpu.wait_dma2 semaphore(%run_scoped3A_106 : memref<!tpu.dma_semaphore, #tpu.memory_space<semaphore_mem>>) src(%dma_wait3A_130 : memref<16x2048xf32, #tpu.memory_space<vmem>>) dst(%dma_wait3A_126 : memref<16x2048xf32, #tpu.memory_space<hbm>>)
        tpu.yield
      }) : () -> ()
      %scan3A_105 = arith.constant 0 : i32
      scf.yield %scan3A_105 : i32
    }
    %scan3A_20 = arith.constant 32 : i32
    %dma_wait3A = arith.constant 0 : i32
    %dma_wait3A_21 = arith.constant 0 : i32
    %dma_wait3A_22 = arith.constant 0 : i32
    %dma_wait3A_23 = arith.constant 0 : i32
    %dma_wait3A_24 = tpu.memref_slice %arg6[%dma_wait3A, %dma_wait3A_22, %dma_wait3A_23] : memref<2x16x2048xf32, #tpu.memory_space<vmem>> -> memref<1x16x2048xf32, #tpu.memory_space<vmem>>
    %dma_wait3A_25 = tpu.memref_squeeze %dma_wait3A_24 : memref<1x16x2048xf32, #tpu.memory_space<vmem>> -> memref<16x2048xf32, #tpu.memory_space<vmem>>
    %dma_wait3A_26 = arith.constant 1008 : i32
    %dma_wait3A_27 = tpu.memref_slice %arg5[%dma_wait3A_26] : memref<1024xi32, #tpu.memory_space<vmem>> -> memref<16xi32, #tpu.memory_space<vmem>>
    %dma_wait3A_28 = arith.constant 0 : i32
    %dma_wait3A_29 = arith.constant 0 : i32
    %dma_wait3A_30 = tpu.memref_slice %arg2[%dma_wait3A_28, %dma_wait3A_29] : memref<8192x2048xf32, #tpu.memory_space<hbm>> -> memref<8192x2048xf32, #tpu.memory_space<hbm>>
    %dma_wait3A_31 = tpu.memref_slice %arg7[%dma_wait3A_21] : memref<2x!tpu.dma_semaphore, #tpu.memory_space<semaphore_mem>> -> memref<1x!tpu.dma_semaphore, #tpu.memory_space<semaphore_mem>>
    %dma_wait3A_32 = tpu.memref_squeeze %dma_wait3A_31 : memref<1x!tpu.dma_semaphore, #tpu.memory_space<semaphore_mem>> -> memref<!tpu.dma_semaphore, #tpu.memory_space<semaphore_mem>>
    tpu.wait_indirect_dma semaphore(%dma_wait3A_32 : memref<!tpu.dma_semaphore, #tpu.memory_space<semaphore_mem>>) src(%dma_wait3A_30 : memref<8192x2048xf32, #tpu.memory_space<hbm>>) dst(%dma_wait3A_25 : memref<16x2048xf32, #tpu.memory_space<vmem>>)
    return
  }
}

module attributes {stable_mosaic.version = 14 : i64} {
  func.func @_combine_body(%arg0: i32, %arg1: memref<4xi32, #tpu.memory_space<smem>>, %arg2: memref<128x2048xf32, #tpu.memory_space<vmem>>, %arg3: memref<512x2048xf32, #tpu.memory_space<vmem>>, %arg4: memref<2048x2048xf32, #tpu.memory_space<vmem>>, %arg5: memref<128x2048xf32, #tpu.memory_space<vmem>>, %arg6: memref<128x2048xf32, #tpu.memory_space<vmem>>) attributes {dimension_semantics = [#tpu.dimension_semantics<arbitrary>], iteration_bounds = array<i64: 64>, scalar_prefetch = 0 : i64, scratch_operands = 0 : i64, tpu.core_type = #tpu.core_type<tc>, window_params = [{transform_indices = @transform_0, window_bounds = array<i64: 4>}, {pipeline_mode = #tpu.pipeline_mode<synchronous>, transform_indices = @transform_1, window_bounds = array<i64: 128, 2048>}, {pipeline_mode = #tpu.pipeline_mode<synchronous>, transform_indices = @transform_2, window_bounds = array<i64: 512, 2048>}, {pipeline_mode = #tpu.pipeline_mode<synchronous>, transform_indices = @transform_3, window_bounds = array<i64: 2048, 2048>}, {transform_indices = @transform_4, window_bounds = array<i64: 128, 2048>}, {transform_indices = @transform_5, window_bounds = array<i64: 128, 2048>}]} {
    %mul3A = arith.constant 128 : i32
    %mul3A_0 = arith.muli %arg0, %mul3A : i32
    %get3A = arith.constant 0 : index
    %get3A_1 = memref.load %arg1[%get3A] : memref<4xi32, #tpu.memory_space<smem>>
    %get3A_2 = arith.constant 1 : index
    %get3A_3 = memref.load %arg1[%get3A_2] : memref<4xi32, #tpu.memory_space<smem>>
    %add3A = arith.addi %mul3A_0, %get3A_3 : i32
    %jit3A = arith.constant 256 : i32
    %eq3A = arith.constant 0 : i32
    %eq3A_4 = arith.cmpi eq, %jit3A, %eq3A : i32
    %jit3A_5 = arith.constant 1 : i32
    %select_n3A = arith.select %eq3A_4, %jit3A_5, %jit3A : i32
    %rem3A = arith.remsi %add3A, %select_n3A : i32
    %ne3A = arith.constant 0 : i32
    %ne3A_6 = arith.cmpi ne, %rem3A, %ne3A : i32
    %lt3A = arith.constant 0 : i32
    %lt3A_7 = arith.cmpi slt, %rem3A, %lt3A : i32
    %lt3A_8 = arith.constant 0 : i32
    %lt3A_9 = arith.cmpi slt, %select_n3A, %lt3A_8 : i32
    %ne3A_10 = arith.xori %lt3A_7, %lt3A_9 : i1
    %and3A = arith.andi %ne3A_10, %ne3A_6 : i1
    %add3A_11 = arith.addi %rem3A, %select_n3A : i32
    %select_n3A_12 = arith.select %and3A, %add3A_11, %rem3A : i32
    %get3A_13 = arith.constant 2 : index
    %get3A_14 = memref.load %arg1[%get3A_13] : memref<4xi32, #tpu.memory_space<smem>>
    %add3A_15 = arith.addi %mul3A_0, %get3A_14 : i32
    %jit3A_16 = arith.constant 1024 : i32
    %eq3A_17 = arith.constant 0 : i32
    %eq3A_18 = arith.cmpi eq, %jit3A_16, %eq3A_17 : i32
    %jit3A_19 = arith.constant 1 : i32
    %select_n3A_20 = arith.select %eq3A_18, %jit3A_19, %jit3A_16 : i32
    %rem3A_21 = arith.remsi %add3A_15, %select_n3A_20 : i32
    %ne3A_22 = arith.constant 0 : i32
    %ne3A_23 = arith.cmpi ne, %rem3A_21, %ne3A_22 : i32
    %lt3A_24 = arith.constant 0 : i32
    %lt3A_25 = arith.cmpi slt, %rem3A_21, %lt3A_24 : i32
    %lt3A_26 = arith.constant 0 : i32
    %lt3A_27 = arith.cmpi slt, %select_n3A_20, %lt3A_26 : i32
    %ne3A_28 = arith.xori %lt3A_25, %lt3A_27 : i1
    %and3A_29 = arith.andi %ne3A_28, %ne3A_23 : i1
    %add3A_30 = arith.addi %rem3A_21, %select_n3A_20 : i32
    %select_n3A_31 = arith.select %and3A_29, %add3A_30, %rem3A_21 : i32
    %jit3A_32 = arith.constant 8 : i32
    %div3A = arith.divsi %get3A_1, %jit3A_32 : i32
    %sign3A = arith.constant 0 : i32
    %sign3A_33 = arith.cmpi sgt, %get3A_1, %sign3A : i32
    %sign3A_34 = arith.extui %sign3A_33 : i1 to i32
    %sign3A_35 = arith.constant 0 : i32
    %sign3A_36 = arith.cmpi slt, %get3A_1, %sign3A_35 : i32
    %sign3A_37 = arith.extui %sign3A_36 : i1 to i32
    %sign3A_38 = arith.subi %sign3A_34, %sign3A_37 : i32
    %sign3A_39 = arith.constant 0 : i32
    %sign3A_40 = arith.cmpi sgt, %jit3A_32, %sign3A_39 : i32
    %sign3A_41 = arith.extui %sign3A_40 : i1 to i32
    %sign3A_42 = arith.constant 0 : i32
    %sign3A_43 = arith.cmpi slt, %jit3A_32, %sign3A_42 : i32
    %sign3A_44 = arith.extui %sign3A_43 : i1 to i32
    %sign3A_45 = arith.subi %sign3A_41, %sign3A_44 : i32
    %ne3A_46 = arith.cmpi ne, %sign3A_38, %sign3A_45 : i32
    %rem3A_47 = arith.remsi %get3A_1, %jit3A_32 : i32
    %ne3A_48 = arith.constant 0 : i32
    %ne3A_49 = arith.cmpi ne, %rem3A_47, %ne3A_48 : i32
    %and3A_50 = arith.andi %ne3A_46, %ne3A_49 : i1
    %sub3A = arith.constant 1 : i32
    %sub3A_51 = arith.subi %div3A, %sub3A : i32
    %select_n3A_52 = arith.select %and3A_50, %sub3A_51, %div3A : i32
    %mul3A_53 = arith.constant 8 : i32
    %mul3A_54 = arith.muli %select_n3A_52, %mul3A_53 : i32
    %multiple_of3A = tpu.assume_multiple %mul3A_54, 8 : i32
    %jit3A_55 = arith.constant 8 : i32
    %eq3A_56 = arith.constant 0 : i32
    %eq3A_57 = arith.cmpi eq, %jit3A_55, %eq3A_56 : i32
    %jit3A_58 = arith.constant 1 : i32
    %select_n3A_59 = arith.select %eq3A_57, %jit3A_58, %jit3A_55 : i32
    %rem3A_60 = arith.remsi %get3A_1, %select_n3A_59 : i32
    %ne3A_61 = arith.constant 0 : i32
    %ne3A_62 = arith.cmpi ne, %rem3A_60, %ne3A_61 : i32
    %lt3A_63 = arith.constant 0 : i32
    %lt3A_64 = arith.cmpi slt, %rem3A_60, %lt3A_63 : i32
    %lt3A_65 = arith.constant 0 : i32
    %lt3A_66 = arith.cmpi slt, %select_n3A_59, %lt3A_65 : i32
    %ne3A_67 = arith.xori %lt3A_64, %lt3A_66 : i1
    %and3A_68 = arith.andi %ne3A_67, %ne3A_62 : i1
    %add3A_69 = arith.addi %rem3A_60, %select_n3A_59 : i32
    %select_n3A_70 = arith.select %and3A_68, %add3A_69, %rem3A_60 : i32
    %get3A_71 = arith.index_cast %multiple_of3A : i32 to index
    %get3A_72 = arith.constant 0 : index
    %get3A_73 = vector.load %arg2[%get3A_71, %get3A_72] : memref<128x2048xf32, #tpu.memory_space<vmem>>, vector<72x2048xf32>
    %sub3A_74 = arith.constant 72 : i32
    %sub3A_75 = arith.subi %sub3A_74, %select_n3A_70 : i32
    %jit3A_76 = arith.constant 72 : i32
    %eq3A_77 = arith.constant 0 : i32
    %eq3A_78 = arith.cmpi eq, %jit3A_76, %eq3A_77 : i32
    %jit3A_79 = arith.constant 1 : i32
    %select_n3A_80 = arith.select %eq3A_78, %jit3A_79, %jit3A_76 : i32
    %rem3A_81 = arith.remsi %sub3A_75, %select_n3A_80 : i32
    %ne3A_82 = arith.constant 0 : i32
    %ne3A_83 = arith.cmpi ne, %rem3A_81, %ne3A_82 : i32
    %lt3A_84 = arith.constant 0 : i32
    %lt3A_85 = arith.cmpi slt, %rem3A_81, %lt3A_84 : i32
    %lt3A_86 = arith.constant 0 : i32
    %lt3A_87 = arith.cmpi slt, %select_n3A_80, %lt3A_86 : i32
    %ne3A_88 = arith.xori %lt3A_85, %lt3A_87 : i1
    %and3A_89 = arith.andi %ne3A_88, %ne3A_83 : i1
    %add3A_90 = arith.addi %rem3A_81, %select_n3A_80 : i32
    %select_n3A_91 = arith.select %and3A_89, %add3A_90, %rem3A_81 : i32
    %roll3A = tpu.dynamic_rotate %get3A_73 by %select_n3A_91 dim 0 : vector<72x2048xf32>, i32 -> vector<72x2048xf32>
    %slice3A = vector.extract_strided_slice %roll3A {offsets = [0, 0], sizes = [64, 2048], strides = [1, 1]} : vector<72x2048xf32> to vector<64x2048xf32>
    %get3A_92 = arith.constant 0 : index
    %get3A_93 = arith.constant 0 : index
    %get3A_94 = vector.load %arg5[%get3A_92, %get3A_93] : memref<128x2048xf32, #tpu.memory_space<vmem>>, vector<128x2048xf32>
    %jit3A_95 = arith.constant 8 : i32
    %div3A_96 = arith.divsi %select_n3A_31, %jit3A_95 : i32
    %sign3A_97 = arith.constant 0 : i32
    %sign3A_98 = arith.cmpi sgt, %select_n3A_31, %sign3A_97 : i32
    %sign3A_99 = arith.extui %sign3A_98 : i1 to i32
    %sign3A_100 = arith.constant 0 : i32
    %sign3A_101 = arith.cmpi slt, %select_n3A_31, %sign3A_100 : i32
    %sign3A_102 = arith.extui %sign3A_101 : i1 to i32
    %sign3A_103 = arith.subi %sign3A_99, %sign3A_102 : i32
    %sign3A_104 = arith.constant 0 : i32
    %sign3A_105 = arith.cmpi sgt, %jit3A_95, %sign3A_104 : i32
    %sign3A_106 = arith.extui %sign3A_105 : i1 to i32
    %sign3A_107 = arith.constant 0 : i32
    %sign3A_108 = arith.cmpi slt, %jit3A_95, %sign3A_107 : i32
    %sign3A_109 = arith.extui %sign3A_108 : i1 to i32
    %sign3A_110 = arith.subi %sign3A_106, %sign3A_109 : i32
    %ne3A_111 = arith.cmpi ne, %sign3A_103, %sign3A_110 : i32
    %rem3A_112 = arith.remsi %select_n3A_31, %jit3A_95 : i32
    %ne3A_113 = arith.constant 0 : i32
    %ne3A_114 = arith.cmpi ne, %rem3A_112, %ne3A_113 : i32
    %and3A_115 = arith.andi %ne3A_111, %ne3A_114 : i1
    %sub3A_116 = arith.constant 1 : i32
    %sub3A_117 = arith.subi %div3A_96, %sub3A_116 : i32
    %select_n3A_118 = arith.select %and3A_115, %sub3A_117, %div3A_96 : i32
    %mul3A_119 = arith.constant 8 : i32
    %mul3A_120 = arith.muli %select_n3A_118, %mul3A_119 : i32
    %multiple_of3A_121 = tpu.assume_multiple %mul3A_120, 8 : i32
    %jit3A_122 = arith.constant 8 : i32
    %eq3A_123 = arith.constant 0 : i32
    %eq3A_124 = arith.cmpi eq, %jit3A_122, %eq3A_123 : i32
    %jit3A_125 = arith.constant 1 : i32
    %select_n3A_126 = arith.select %eq3A_124, %jit3A_125, %jit3A_122 : i32
    %rem3A_127 = arith.remsi %select_n3A_31, %select_n3A_126 : i32
    %ne3A_128 = arith.constant 0 : i32
    %ne3A_129 = arith.cmpi ne, %rem3A_127, %ne3A_128 : i32
    %lt3A_130 = arith.constant 0 : i32
    %lt3A_131 = arith.cmpi slt, %rem3A_127, %lt3A_130 : i32
    %lt3A_132 = arith.constant 0 : i32
    %lt3A_133 = arith.cmpi slt, %select_n3A_126, %lt3A_132 : i32
    %ne3A_134 = arith.xori %lt3A_131, %lt3A_133 : i1
    %and3A_135 = arith.andi %ne3A_134, %ne3A_129 : i1
    %add3A_136 = arith.addi %rem3A_127, %select_n3A_126 : i32
    %select_n3A_137 = arith.select %and3A_135, %add3A_136, %rem3A_127 : i32
    %get3A_138 = arith.index_cast %multiple_of3A_121 : i32 to index
    %get3A_139 = arith.constant 0 : index
    %get3A_140 = vector.load %arg4[%get3A_138, %get3A_139] : memref<2048x2048xf32, #tpu.memory_space<vmem>>, vector<136x2048xf32>
    %sub3A_141 = arith.constant 136 : i32
    %sub3A_142 = arith.subi %sub3A_141, %select_n3A_137 : i32
    %jit3A_143 = arith.constant 136 : i32
    %eq3A_144 = arith.constant 0 : i32
    %eq3A_145 = arith.cmpi eq, %jit3A_143, %eq3A_144 : i32
    %jit3A_146 = arith.constant 1 : i32
    %select_n3A_147 = arith.select %eq3A_145, %jit3A_146, %jit3A_143 : i32
    %rem3A_148 = arith.remsi %sub3A_142, %select_n3A_147 : i32
    %ne3A_149 = arith.constant 0 : i32
    %ne3A_150 = arith.cmpi ne, %rem3A_148, %ne3A_149 : i32
    %lt3A_151 = arith.constant 0 : i32
    %lt3A_152 = arith.cmpi slt, %rem3A_148, %lt3A_151 : i32
    %lt3A_153 = arith.constant 0 : i32
    %lt3A_154 = arith.cmpi slt, %select_n3A_147, %lt3A_153 : i32
    %ne3A_155 = arith.xori %lt3A_152, %lt3A_154 : i1
    %and3A_156 = arith.andi %ne3A_155, %ne3A_150 : i1
    %add3A_157 = arith.addi %rem3A_148, %select_n3A_147 : i32
    %select_n3A_158 = arith.select %and3A_156, %add3A_157, %rem3A_148 : i32
    %roll3A_159 = tpu.dynamic_rotate %get3A_140 by %select_n3A_158 dim 0 : vector<136x2048xf32>, i32 -> vector<136x2048xf32>
    %slice3A_160 = vector.extract_strided_slice %roll3A_159 {offsets = [0, 0], sizes = [128, 2048], strides = [1, 1]} : vector<136x2048xf32> to vector<128x2048xf32>
    %add3A_161 = arith.addf %get3A_94, %slice3A_160 : vector<128x2048xf32>
    %jit3A_162 = arith.constant 8 : i32
    %div3A_163 = arith.divsi %select_n3A_12, %jit3A_162 : i32
    %sign3A_164 = arith.constant 0 : i32
    %sign3A_165 = arith.cmpi sgt, %select_n3A_12, %sign3A_164 : i32
    %sign3A_166 = arith.extui %sign3A_165 : i1 to i32
    %sign3A_167 = arith.constant 0 : i32
    %sign3A_168 = arith.cmpi slt, %select_n3A_12, %sign3A_167 : i32
    %sign3A_169 = arith.extui %sign3A_168 : i1 to i32
    %sign3A_170 = arith.subi %sign3A_166, %sign3A_169 : i32
    %sign3A_171 = arith.constant 0 : i32
    %sign3A_172 = arith.cmpi sgt, %jit3A_162, %sign3A_171 : i32
    %sign3A_173 = arith.extui %sign3A_172 : i1 to i32
    %sign3A_174 = arith.constant 0 : i32
    %sign3A_175 = arith.cmpi slt, %jit3A_162, %sign3A_174 : i32
    %sign3A_176 = arith.extui %sign3A_175 : i1 to i32
    %sign3A_177 = arith.subi %sign3A_173, %sign3A_176 : i32
    %ne3A_178 = arith.cmpi ne, %sign3A_170, %sign3A_177 : i32
    %rem3A_179 = arith.remsi %select_n3A_12, %jit3A_162 : i32
    %ne3A_180 = arith.constant 0 : i32
    %ne3A_181 = arith.cmpi ne, %rem3A_179, %ne3A_180 : i32
    %and3A_182 = arith.andi %ne3A_178, %ne3A_181 : i1
    %sub3A_183 = arith.constant 1 : i32
    %sub3A_184 = arith.subi %div3A_163, %sub3A_183 : i32
    %select_n3A_185 = arith.select %and3A_182, %sub3A_184, %div3A_163 : i32
    %mul3A_186 = arith.constant 8 : i32
    %mul3A_187 = arith.muli %select_n3A_185, %mul3A_186 : i32
    %multiple_of3A_188 = tpu.assume_multiple %mul3A_187, 8 : i32
    %jit3A_189 = arith.constant 8 : i32
    %eq3A_190 = arith.constant 0 : i32
    %eq3A_191 = arith.cmpi eq, %jit3A_189, %eq3A_190 : i32
    %jit3A_192 = arith.constant 1 : i32
    %select_n3A_193 = arith.select %eq3A_191, %jit3A_192, %jit3A_189 : i32
    %rem3A_194 = arith.remsi %select_n3A_12, %select_n3A_193 : i32
    %ne3A_195 = arith.constant 0 : i32
    %ne3A_196 = arith.cmpi ne, %rem3A_194, %ne3A_195 : i32
    %lt3A_197 = arith.constant 0 : i32
    %lt3A_198 = arith.cmpi slt, %rem3A_194, %lt3A_197 : i32
    %lt3A_199 = arith.constant 0 : i32
    %lt3A_200 = arith.cmpi slt, %select_n3A_193, %lt3A_199 : i32
    %ne3A_201 = arith.xori %lt3A_198, %lt3A_200 : i1
    %and3A_202 = arith.andi %ne3A_201, %ne3A_196 : i1
    %add3A_203 = arith.addi %rem3A_194, %select_n3A_193 : i32
    %select_n3A_204 = arith.select %and3A_202, %add3A_203, %rem3A_194 : i32
    %get3A_205 = arith.index_cast %multiple_of3A_188 : i32 to index
    %get3A_206 = arith.constant 0 : index
    %get3A_207 = vector.load %arg3[%get3A_205, %get3A_206] : memref<512x2048xf32, #tpu.memory_space<vmem>>, vector<136x2048xf32>
    %sub3A_208 = arith.constant 136 : i32
    %sub3A_209 = arith.subi %sub3A_208, %select_n3A_204 : i32
    %jit3A_210 = arith.constant 136 : i32
    %eq3A_211 = arith.constant 0 : i32
    %eq3A_212 = arith.cmpi eq, %jit3A_210, %eq3A_211 : i32
    %jit3A_213 = arith.constant 1 : i32
    %select_n3A_214 = arith.select %eq3A_212, %jit3A_213, %jit3A_210 : i32
    %rem3A_215 = arith.remsi %sub3A_209, %select_n3A_214 : i32
    %ne3A_216 = arith.constant 0 : i32
    %ne3A_217 = arith.cmpi ne, %rem3A_215, %ne3A_216 : i32
    %lt3A_218 = arith.constant 0 : i32
    %lt3A_219 = arith.cmpi slt, %rem3A_215, %lt3A_218 : i32
    %lt3A_220 = arith.constant 0 : i32
    %lt3A_221 = arith.cmpi slt, %select_n3A_214, %lt3A_220 : i32
    %ne3A_222 = arith.xori %lt3A_219, %lt3A_221 : i1
    %and3A_223 = arith.andi %ne3A_222, %ne3A_217 : i1
    %add3A_224 = arith.addi %rem3A_215, %select_n3A_214 : i32
    %select_n3A_225 = arith.select %and3A_223, %add3A_224, %rem3A_215 : i32
    %roll3A_226 = tpu.dynamic_rotate %get3A_207 by %select_n3A_225 dim 0 : vector<136x2048xf32>, i32 -> vector<136x2048xf32>
    %slice3A_227 = vector.extract_strided_slice %roll3A_226 {offsets = [0, 0], sizes = [128, 2048], strides = [1, 1]} : vector<136x2048xf32> to vector<128x2048xf32>
    %add3A_228 = arith.addf %add3A_161, %slice3A_227 : vector<128x2048xf32>
    %concatenate3A = tpu.concatenate %slice3A, %slice3A in 0 : vector<64x2048xf32>, vector<64x2048xf32> -> vector<128x2048xf32>
    %add3A_229 = arith.addf %add3A_228, %concatenate3A : vector<128x2048xf32>
    %swap3A = arith.constant 0 : index
    %swap3A_230 = arith.constant 0 : index
    %swap3A_231 = vector.load %arg6[%swap3A, %swap3A_230] : memref<128x2048xf32, #tpu.memory_space<vmem>>, vector<128x2048xf32>
    tpu.vector_store %arg6[%swap3A, %swap3A_230], %add3A_229 {strides = array<i32>} : memref<128x2048xf32, #tpu.memory_space<vmem>>, vector<128x2048xf32>,
    return
  }
  func.func @transform_0(%arg0: i32) -> i32 {
    %c0_i32 = arith.constant 0 : i32
    %c0_i32_0 = arith.constant 0 : i32
    return %c0_i32 : i32
  }
  func.func @transform_1(%arg0: i32) -> (i32, i32) {
    %c0_i32 = arith.constant 0 : i32
    %c0_i32_0 = arith.constant 0 : i32
    %c0_i32_1 = arith.constant 0 : i32
    return %c0_i32, %c0_i32_0 : i32, i32
  }
  func.func @transform_2(%arg0: i32) -> (i32, i32) {
    %c0_i32 = arith.constant 0 : i32
    %c0_i32_0 = arith.constant 0 : i32
    %c0_i32_1 = arith.constant 0 : i32
    return %c0_i32, %c0_i32_0 : i32, i32
  }
  func.func @transform_3(%arg0: i32) -> (i32, i32) {
    %c0_i32 = arith.constant 0 : i32
    %c0_i32_0 = arith.constant 0 : i32
    %c0_i32_1 = arith.constant 0 : i32
    return %c0_i32, %c0_i32_0 : i32, i32
  }
  func.func @transform_4(%arg0: i32) -> (i32, i32) {
    %c0_i32 = arith.constant 0 : i32
    %c0_i32_0 = arith.constant 0 : i32
    return %arg0, %c0_i32 : i32, i32
  }
  func.func @transform_5(%arg0: i32) -> (i32, i32) {
    %c0_i32 = arith.constant 0 : i32
    %c0_i32_0 = arith.constant 0 : i32
    return %arg0, %c0_i32 : i32, i32
  }
}

</mosaic_0001>

<sc_bundles>
// kernel: kernel.4.cloned.1.call-start
scs
__scs_entry_jumppad:
0x0: {  	(pc) =	sbr.rel $0x88, $3  }
0x1: {  	(tag) =	ssettag $0x0;
	lr =	simm.s32 $0x1  }
0x2: {  	[smem:$0x3F9B] =	sst lr;
	_ =	strace $0xD0000000  }
0x3: {  	_ = 	snop  }
0x4: {  	_ = 	snop  }
0x5: {  	_ = 	snop  }
0x6: {  	_ = 	snop  }
0x7: {  	_ = 	snop  }
__scs_overlays_trampoline_lowered:
0x8: {  	[smem:$0x3FAA] =	sst s0  }
0x9: {  	[smem:$0x3FAB] =	sst s1  }
0xa: {  	[smem:$0x3FAC] =	sst s2  }
0xb: {  	[smem:$0x3FAD] =	sst s3  }
0xc: {  	[smem:$0x3FAE] =	sst s4  }
0xd: {  	[smem:$0x3FAF] =	sst s5  }
0xe: {  	[smem:$0x3FB0] =	sst s6  }
0xf: {  	[smem:$0x3FB1] =	sst s7  }
0x10: {  	[smem:$0x3FB2] =	sst s8  }
0x11: {  	[smem:$0x3FB3] =	sst s9;
	s0 =	simm.s32 @!p0 $0x0  }
0x12: {  	s1 =	sld [smem:$0x3F99];
	s0 =	simm.s32 @p0 $0x1  }
0x13: {  	[smem:$0x3FB4] =	sst s0;
	s0 =	simm.s32 @!p1 $0x0  }
0x14: {  	s2 =	sld [smem:$0x3F98];
	s0 =	simm.s32 @p1 $0x1  }
0x15: {  	[smem:$0x3FB5] =	sst s0;
	s0 =	simm.s32 @!p2 $0x0  }
0x16: {  	s3 =	sld [smem:$0x3FDB];
	s0 =	simm.s32 @p2 $0x1  }
0x17: {  	s4 =	simm.s32 $0x1BF5;
	[smem:$0x3FB7] =	sst s0  }
0x18: {  	s0 =	sld [smem:$0x3F9A];
	_ =	swait.ge [sflag:s4], $0x0  }
0x19: {  	s7 =	sld [smem:$0x3F9B]  }
0x1a: {  	s8 =	sadd.s32 $0xFFFFE003, lr  }
0x1b: {  	s9 =	sadd.s32 $0xFFFFFEF7, lr;
	s5 =	simm.s32 $0xFFFFFFFF;
	p2 =	slt.u32 s8, $0xFFFFF086  }
0x1c: {  	p1 =	slt.u32 s9, $0xF7A;
	s5 =	simm.s32 @!p2 $0x0  }
0x1d: {  	s5 =	simm.s32 @p1 $0x1;
	p0 =	seq.s32 s7, s2  }
0x1e: {  	s7 =	smul.u32 @!p0 $0xF7A, s2;
	p2 =	seq.s32 @!p0 s5, $0x0  }
0x1f: {  	s9 =	smul.u32 $0xF7A, s1;
	s8 =	simm.s32 @!p0 $0x1BF5;
	p2 =	por !p2, p0  }
0x20: {  	[sflag:s8] =	ssyncset.s32 @!p0 $0xFFFFF086;
	s6 =	sadd.s32 @!p0 s3, s7;
	s7 =	simm.s32 @!p0 $0x108  }
0x21: {  	s3 =	sadd.s32 s3, s9;
	s6 =	sadd.s32 @!p0 $0x88, s6;
	s7 =	simm.s32 @p2 $0x1082  }
0x22: {  	[simem:s7], [sflag:s8] =	dma.local @!p0 [hbm:s6], $0xF7A  }
0x23: {  	s9 =	sor.u32 $0xD0000000, s2;
	s6 =	simm.s32 $0x108;
	_ =	swait.ge @!p0 [sflag:s8], $0x0  }
0x24: {  	s3 =	sadd.s32 $0x88, s3;
	s6 =	simm.s32 @!p1 $0x1082;
	[sflag:s4] =	ssyncset.s32 $0xFFFFF086  }
0x25: {  	[simem:s6], [sflag:s4] =	dma.local [hbm:s3], $0xF7A  }
0x26: {  	[smem:$0x3F9B] =	sst s1;
	(tag) =	ssettag s2;
	_ =	strace s9  }
0x27: {  	s1 =	sld [smem:$0x3FAB]  }
0x28: {  	s2 =	sld [smem:$0x3FAC]  }
0x29: {  	s4 =	sld [smem:$0x3FAE]  }
0x2a: {  	p0 =	seq.s32 s5, $0x0;
	s5 =	sld [smem:$0x3FAF]  }
0x2b: {  	s6 =	sld [smem:$0x3FB0]  }
0x2c: {  	s7 =	sld [smem:$0x3FB1]  }
0x2d: {  	s3 =	simm.s32 $0x108;
	s8 =	sld [smem:$0x3FB2]  }
0x2e: {  	s3 =	simm.s32 @!p0 $0x1082;
	s9 =	sld [smem:$0x3FB3]  }
0x2f: {  	lr =	sadd.s32 s0, s3;
	s0 =	sld [smem:$0x3FAA]  }
0x30: {  	s3 =	sld [smem:$0x3FAD]  }
0x31: {  	[smem:$0x3FB6] =	sst s10  }
0x32: {  	s10 =	sld [smem:$0x3FB4];
	_ =	sdelay $0x3  }
0x33: {  	p0 =	seq.s32 s10, $0x1;
	s10 =	sld [smem:$0x3FB6];
	_ =	sdelay $0x3  }
0x34: {  	[smem:$0x3FB6] =	sst s10  }
0x35: {  	s10 =	sld [smem:$0x3FB5];
	_ =	sdelay $0x3  }
0x36: {  	p1 =	seq.s32 s10, $0x1;
	s10 =	sld [smem:$0x3FB6];
	_ =	sdelay $0x3  }
0x37: {  	[smem:$0x3FB6] =	sst s10  }
0x38: {  	s10 =	sld [smem:$0x3FB7]  }
0x39: {  	_ = 	snop;
	(pc) =	sbr.ind lr, $3  }
0x3a: {  	_ = 	snop  }
0x3b: {  	_ = 	snop  }
0x3c: {  	p2 =	seq.s32 s10, $0x1;
	s10 =	sld [smem:$0x3FB6]  }
0x3d: {  	_ =	shalt  }
0x3e: {  	_ =	shalt  }
0x3f: {  	_ =	shalt  }
0x40: {  	_ =	shalt  }
0x41: {  	_ =	shalt  }
0x42: {  	_ =	shalt  }
0x43: {  	_ =	shalt  }
0x44: {  	_ =	shalt  }
0x45: {  	_ =	shalt  }
0x46: {  	_ =	shalt  }
0x47: {  	_ =	shalt  }
0x48: {  	_ =	shalt  }
0x49: {  	_ =	shalt  }
0x4a: {  	_ =	shalt  }
0x4b: {  	_ =	shalt  }
0x4c: {  	_ =	shalt  }
0x4d: {  	_ =	shalt  }
0x4e: {  	_ =	shalt  }
0x4f: {  	_ =	shalt  }
0x50: {  	_ =	shalt  }
0x51: {  	_ =	shalt  }
0x52: {  	_ =	shalt  }
0x53: {  	_ =	shalt  }
0x54: {  	_ =	shalt  }
0x55: {  	_ =	shalt  }
0x56: {  	_ =	shalt  }
0x57: {  	_ =	shalt  }
0x58: {  	_ =	shalt  }
0x59: {  	_ =	shalt  }
0x5a: {  	_ =	shalt  }
0x5b: {  	_ =	shalt  }
0x5c: {  	_ =	shalt  }
0x5d: {  	_ =	shalt  }
0x5e: {  	_ =	shalt  }
0x5f: {  	_ =	shalt  }
0x60: {  	_ =	shalt  }
0x61: {  	_ =	shalt  }
0x62: {  	_ =	shalt  }
0x63: {  	_ =	shalt  }
0x64: {  	_ =	shalt  }
0x65: {  	_ =	shalt  }
0x66: {  	_ =	shalt  }
0x67: {  	_ =	shalt  }
0x68: {  	_ =	shalt  }
0x69: {  	_ =	shalt  }
0x6a: {  	_ =	shalt  }
0x6b: {  	_ =	shalt  }
0x6c: {  	_ =	shalt  }
0x6d: {  	_ =	shalt  }
0x6e: {  	_ =	shalt  }
0x6f: {  	_ =	shalt  }
0x70: {  	_ =	shalt  }
0x71: {  	_ =	shalt  }
0x72: {  	_ =	shalt  }
0x73: {  	_ =	shalt  }
0x74: {  	_ =	shalt  }
0x75: {  	_ =	shalt  }
0x76: {  	_ =	shalt  }
0x77: {  	_ =	shalt  }
0x78: {  	_ =	shalt  }
0x79: {  	_ =	shalt  }
0x7a: {  	_ =	shalt  }
0x7b: {  	_ =	shalt  }
0x7c: {  	_ =	shalt  }
0x7d: {  	_ =	shalt  }
0x7e: {  	_ =	shalt  }
0x7f: {  	_ =	shalt  }
0x80: {  	_ =	shalt  }
0x81: {  	_ =	shalt  }
0x82: {  	_ =	shalt  }
0x83: {  	_ =	shalt  }
0x84: {  	_ =	shalt  }
0x85: {  	_ =	shalt  }
0x86: {  	_ =	shalt  }
0x87: {  	_ =	shalt  }
.Lfunc_end0:
.L_simem_size_0:
called_computation_lowered:
.L_overlay_start_0:
0x88: {  	s2 =	sld [smem:$0x3FD9]  }
0x89: {  	s3 =	sld [smem:$0x3FFE];
	_ =	sdelay $0x1  }
0x8a: {  	s1 =	srdreg.scid  }
0x8b: {  	s0 =	sand.u32 $0x1, s1  }
0x8c: {  	s17 =	sshll.u32 s0, $0xA;
	s2 =	sadd.s32 s3, s2  }
0x8d: {  	s2 =	sadd.s32 s2, s17  }
0x8e: {  	[smem:$0x3FC2] =	sst s2  }
0x8f: {  	_ = 	snop  }
0x90: {  	s2 =	sld [smem:$0x3FD0];
	(tm) =	ssettm $0x1  }
0x91: {  	s18 =	sld [smem:$0x3FFB];
	_ =	sdelay $0x3  }
0x92: {  	_ =	strace s18  }
0x93: {  	s3 =	sld [smem:$0x3FFC];
	_ =	sdelay $0x3  }
0x94: {  	_ =	strace s3  }
0x95: {  	s3 =	sld [smem:$0x3FFD];
	_ =	sdelay $0x3  }
0x96: {  	_ =	strace s3  }
0x97: {  	_ =	strace $0x8FFFFFFF  }
0x98: {  	s19 =	sld [smem:$0x3FDB];
	_ =	sdelay $0x1  }
0x99: {  	s4 =	simm.s32 $_scs_section_size  }
0x9a: {  	s5 =	simm.s32 $_size__tile_overlayer_lowered;
	s6 =	simm.s32 $_tile_overlayer_lowered  }
0x9b: {  	s22 =	simm.s32 $0x1BFF;
	s21 =	sshll.u32 s6, $0x1;
	s3 =	sadd.s32 s4, s19  }
0x9c: {  	s7 =	simm.s32 $0x0;
	s20 =	sshll.u32 s5, $0x1;
	s5 =	sadd.s32 s21, s3  }
0x9d: {  	[timem:s7], [sflag:s22] =	dma.local [hbm:s5], s20  }
0x9e: {  	_ =	swait.ge [sflag:s22], s20  }
0x9f: {  	s4 =	ssub.s32 $0x0, s20;
	[sflag:s22] =	ssyncset.done $0x0  }
0xa0: {  	[sflag:s22] =	ssyncadd.s32 s4;
	_ =	sdelay $0x1  }
0xa1: {  	s23 =	simm.s32 $0x1B8B  }
0xa2: {  	_ =	swait.ge [sflag:s23], $0x1  }
0xa3: {  	[sflag:s23] =	ssyncset.done $0x0  }
0xa4: {  	s25 =	simm.s32 $0x1B8E;
	s24 =	sld [smem:$0x3FFE];
	[sflag:s23] =	ssyncadd.s32 $0xFFFFFFFF  }
0xa5: {  	s26 =	simm.s32 $execute0_lowered;
	[smem:$0x3FD2] =	sst s25  }
0xa6: {  	s5 =	sshll.u32 s26, $0x1;
	_ =	strace $0x80000046;
	[dreg:$0x1] =	wrdreg $0xFFFFFFFF  }
0xa7: {  	s28 =	simm.s32 $_size_execute0_lowered;
	s3 =	sadd.s32 s3, s5;
	[dreg:$0x0] =	wrdreg $0x0  }
0xa8: {  	s5 =	sshll.u32 s28, $0x1;
	[dreg:$0x2] =	wrdreg s3  }
0xa9: {  	[dreg:$0x3] =	wrdreg s5  }
0xaa: {  	[dreg:$0x4] =	wrdreg $0xC0  }
0xab: {  	_ =	task [dreg:s7], $0x5FFFF  }
0xac: {  	[dreg:$0x1] =	wrdreg $0xFFFFFFFF  }
0xad: {  	[dreg:$0x0] =	wrdreg $0x60  }
0xae: {  	[dreg:$0x2] =	wrdreg s24  }
0xaf: {  	[dreg:$0x3] =	wrdreg s2  }
0xb0: {  	[dreg:$0x4] =	wrdreg $0x9  }
0xb1: {  	_ =	task.clear_ibuf [dreg:s7], $0x5FFFF;
	_ =	strace $0x90000046  }
0xb2: {  	s29 =	simm.s32 $0x9;
	_ =	strace $0x80000048  }
0xb3: {  	_ =	swait.ge [sflag:s29], $0x1  }
0xb4: {  	[sflag:s29] =	ssyncadd.s32 $0xFFFFFFFF  }
0xb5: {  	_ =	strace $0x90000048  }
0xb6: {  	_ =	sfence  }
0xb7: {  	s30 =	sld [smem:$0x0];
	_ =	sdelay $0x2  }
0xb8: {  	s31 =	sshll.u32 s1, $0xD;
	s1 =	sshrl.u32 s1, $0x2  }
0xb9: {  	s3 =	sand.u32 $0x4000, s31;
	s1 =	sadd.s32 s1, s30  }
0xba: {  	s0 =	sor.u32 s3, s0;
	s1 =	sshll.u32 s1, $0x11  }
0xbb: {  	s0 =	sor.u32 s1, s0  }
0xbc: {  	s0 =	sadd.s32 $0x8F2B, s0  }
0xbd: {  	[sflag:s0] =	ssyncadd.remote.s32 $0x1  }
0xbe: {  	_ =	sfence.sel $0xFFFF  }
0xbf: {  	[dreg:$0x0] =	wrdreg $0xFFFFFFFF;
	(pc) =	sbr.abs _section_cstart, $3  }
0xc0: {  	[dreg:$0x1] =	wrdreg $0xFFFFFFFF  }
0xc1: {  	_ =	task.clear_ibuf [dreg:s7], $0x2FFFF;
	_ =	strace $0x9FFFFFFF  }
0xc2: {  	(tm) =	ssettm $0x7FFFFFFF  }
0xc3: {  	_ =	shalt  }
tec
execute0_lowered:
.L_overlay_start_1:
0x0: {  	(tag) =	ssettag $0x1  }
0x1: {  	s0 =	srdreg.scid  }
0x2: {  	s1 =	rddreg [dreg:$0x0];
	s13 =	stileid.u32  }
0x3: {  	s4 =	rddreg [dreg:$0x1];
	s2 =	simm.s32 $0x0;
	s24 =	simm.s32 $0x8C00  }
0x4: {  	s26 =	simm.s32 $0x9400;
	s14 =	simm.s32 $0xA400;
	s15 =	simm.s32 $0xAC00  }
0x5: {  	s16 =	simm.s32 $0xB400;
	s17 =	simm.s32 $0xBC00;
	s18 =	simm.s32 $0xC00  }
0x6: {  	s19 =	simm.s32 $0xC400;
	s20 =	simm.s32 $0xCC00;
	s28 =	simm.s32 $0x6C00  }
0x7: {  	s29 =	simm.s32 $0x7400;
	s30 =	simm.s32 $0x7C00;
	[smem:$0x7FF] =	sst s2  }
0x8: {  	s3 =	sshll.u32 s13, $0xB;
	_ =	strace $0x80000047;
	[dreg:$0x3] =	wrdreg s24  }
0x9: {  	s25 =	sshll.u32 s13, $0x13;
	s13 =	simm.s32 $0x9C00;
	[dreg:$0x4] =	wrdreg s26  }
0xa: {  	s31 =	simm.s32 $0x0;
	s0 =	sand.u32 $0x1, s0;
	[dreg:$0x5] =	wrdreg s13  }
0xb: {  	s8 =	sadd.s32 $0x1A00, s1;
	s9 =	sadd.s32 $0x1B00, s1;
	[dreg:$0x6] =	wrdreg s14  }
0xc: {  	s10 =	sadd.s32 $0x1C00, s1;
	s11 =	sadd.s32 $0x1D00, s1;
	[dreg:$0x7] =	wrdreg s15  }
0xd: {  	s5 =	sshll.u32 s0, $0xA;
	s21 =	ssub.s32 $0x2, s0;
	[dreg:$0x8] =	wrdreg s16  }
0xe: {  	s4 =	sadd.s32 s25, s4;
	s0 =	sshll.u32 s0, $0x12;
	[dreg:$0x9] =	wrdreg s17  }
0xf: {  	s14 =	simm.s32 $0x3;
	s15 =	simm.s32 $0x400;
	[dreg:$0xa] =	wrdreg s19  }
0x10: {  	s13 =	simm.s32 $0x1400;
	s16 =	simm.s32 $0x1C00;
	[dreg:$0xb] =	wrdreg s20  }
0x11: {  	s17 =	simm.s32 $0x2400;
	s19 =	simm.s32 $0x2C00;
	s20 =	simm.s32 $0x3400  }
0x12: {  	s24 =	simm.s32 $0xEC00;
	s25 =	simm.s32 $0xF400;
	s26 =	simm.s32 $0xFC00  }
0x13: {  	s3 =	sor.u32 s5, s3;
	s7 =	sshrl.u32 s21, $0x1;
	[dreg:$0xf] =	wrdreg s24  }
0x14: {  	s5 =	sadd.s32 $0x1700, s1;
	s0 =	sadd.s32 s0, s4;
	[dreg:$0x10] =	wrdreg s25  }
0x15: {  	[dreg:$0x11] =	wrdreg s26;
	s24 =	simm.s32 $0x5400;
	s25 =	simm.s32 $0x5C00  }
0x16: {  	s26 =	simm.s32 $0x6400;
	s4 =	simm.s32 $0x2;
	s3 =	sshrl.u32 s3, $0x3  }
0x17: {  	s12 =	ssub.s32 s21, s7;
	s7 =	sadd.s32 $0x1900, s1;
	[dreg:$0x14] =	wrdreg s0  }
0x18: {  	s21 =	simm.s32 $0xD400;
	s0 =	simm.s32 $0x1;
	s6 =	sadd.s32 s3, s1  }
0x19: {  	s3 =	sadd.s32 $0x1600, s1;
	s23 =	smax.u32 s12, $0x1;
	[dreg:$0xc] =	wrdreg s21  }
0x1a: {  	s21 =	simm.s32 $0x3C00;
	s22 =	sadd.s32 $0x600, s6;
	[dreg:$0x13] =	wrdreg s23  }
0x1b: {  	v2 =	vlaneseq.u32;
	s6 =	sadd.s32 $0x1800, s1;
	s23 =	simm.s32 $0xE400;
	[dreg:$0x12] =	wrdreg s22  }
0x1c: {  	vm0 =	vmmov $0xffff;
	v1 =	vshrl.u32 v2, $0x3;
	s1 =	simm.s32 $0x8400;
	s22 =	simm.s32 $0xDC00;
	[dreg:$0xe] =	wrdreg s23  }
0x1d: {  	v0 =	vand.u32 $0x7, v2;
	v2 =	vor.u32 $0x8, v2;
	v1 =	vmul.u32 $0x8, v1;
	s23 =	simm.s32 $0x4C00;
	[dreg:$0xd] =	wrdreg s22;
	s22 =	simm.s32 $0x4400  }
.LBB2_1:
0x1e: {  	[dreg:$0x15] =	wrdreg s31  }
0x1f: {  	s12 =	rddreg [dreg:$0x12]  }
0x20: {  	[tilespmem:s2], [sflag:$0x3] =	stream.linear.gather [hbm4b:s12+s2], $0x400, $0x38;
	[tilespmem:$0x10400] =	vst v63  }
0x21: {  	_ =	swait.ge [sflag:s14], $0x400  }
0x22: {  	[sflag:s14] =	ssyncset.done $0x0  }
0x23: {  	[sflag:s14] =	ssyncadd.s32 $0xFFFFFC00  }
0x24: {  	v3 =	vld [tilespmem:$0x0];
	_ =	sdelay $0x4  }
0x25: {  	v4 =	vshll.u32 v3, $0x4  }
0x26: {  	v3 =	vand.u32 $0x7, v3;
	v4 =	vand.u32 $0xFFFFFF80, v4  }
0x27: {  	v3 =	vor.u32 v3, v4  }
0x28: {  	v4 =	vperm.xlane v3, v0;
	_ =	sdelay $0x1  }
0x29: {  	v4 =	vadd.s32 v1, v4;
	_ =	sdelay $0x4  }
0x2a: {  	[tilespmem:s15], [sflag:$0x1] =	stream.indirect_vreg.gather [hbm4b:s3+s2], $0x80, v4, vm0, $0xb8;
	[tilespmem:$0x10400] =	vst v63  }
0x2b: {  	_ = 	snop  }
0x2c: {  	[tilespmem:s18], [sflag:$0x1] =	stream.indirect_vreg.gather [hbm4b:s5+s2], $0x80, v4, vm0, $0xb8;
	[tilespmem:$0x10400] =	vst v63  }
0x2d: {  	_ = 	snop  }
0x2e: {  	[tilespmem:s13], [sflag:$0x1] =	stream.indirect_vreg.gather [hbm4b:s6+s2], $0x80, v4, vm0, $0xb8;
	[tilespmem:$0x10400] =	vst v63  }
0x2f: {  	_ = 	snop  }
0x30: {  	[tilespmem:s16], [sflag:$0x1] =	stream.indirect_vreg.gather [hbm4b:s7+s2], $0x80, v4, vm0, $0xb8;
	[tilespmem:$0x10400] =	vst v63  }
0x31: {  	_ = 	snop  }
0x32: {  	[tilespmem:s17], [sflag:$0x1] =	stream.indirect_vreg.gather [hbm4b:s8+s2], $0x80, v4, vm0, $0xb8;
	[tilespmem:$0x10400] =	vst v63  }
0x33: {  	v3 =	vperm.xlane v3, v2  }
0x34: {  	[tilespmem:s19], [sflag:$0x1] =	stream.indirect_vreg.gather [hbm4b:s9+s2], $0x80, v4, vm0, $0xb8;
	[tilespmem:$0x10400] =	vst v63  }
0x35: {  	v3 =	vadd.s32 v1, v3  }
0x36: {  	[tilespmem:s20], [sflag:$0x1] =	stream.indirect_vreg.gather [hbm4b:s10+s2], $0x80, v4, vm0, $0xb8;
	[tilespmem:$0x10400] =	vst v63  }
0x37: {  	_ = 	snop  }
0x38: {  	[tilespmem:s21], [sflag:$0x1] =	stream.indirect_vreg.gather [hbm4b:s11+s2], $0x80, v4, vm0, $0xb8;
	[tilespmem:$0x10400] =	vst v63  }
0x39: {  	_ = 	snop  }
0x3a: {  	[tilespmem:s22], [sflag:$0x1] =	stream.indirect_vreg.gather [hbm4b:s3+s2], $0x80, v3, vm0, $0xb8;
	[tilespmem:$0x10400] =	vst v63  }
0x3b: {  	_ = 	snop  }
0x3c: {  	[tilespmem:s23], [sflag:$0x1] =	stream.indirect_vreg.gather [hbm4b:s5+s2], $0x80, v3, vm0, $0xb8;
	[tilespmem:$0x10400] =	vst v63  }
0x3d: {  	_ = 	snop  }
0x3e: {  	[tilespmem:s24], [sflag:$0x1] =	stream.indirect_vreg.gather [hbm4b:s6+s2], $0x80, v3, vm0, $0xb8;
	[tilespmem:$0x10400] =	vst v63  }
0x3f: {  	_ = 	snop  }
0x40: {  	[tilespmem:s25], [sflag:$0x1] =	stream.indirect_vreg.gather [hbm4b:s7+s2], $0x80, v3, vm0, $0xb8;
	[tilespmem:$0x10400] =	vst v63  }
0x41: {  	s31 =	simm.s32 $0x6C00;
	s12 =	rddreg [dreg:$0x14];
	s13 =	simm.s32 $0x10  }
0x42: {  	[tilespmem:s26], [sflag:$0x1] =	stream.indirect_vreg.gather [hbm4b:s8+s2], $0x80, v3, vm0, $0xb8;
	[tilespmem:$0x10400] =	vst v63  }
0x43: {  	s16 =	simm.s32 $0x0;
	s19 =	simm.s32 $0x1400;
	s20 =	simm.s32 $0x1C00  }
0x44: {  	[tilespmem:s28], [sflag:$0x1] =	stream.indirect_vreg.gather [hbm4b:s9+s2], $0x80, v3, vm0, $0xb8;
	[tilespmem:$0x10400] =	vst v63  }
0x45: {  	s21 =	simm.s32 $0x2400;
	s22 =	simm.s32 $0x7400;
	s23 =	simm.s32 $0x3400  }
0x46: {  	[tilespmem:s29], [sflag:$0x1] =	stream.indirect_vreg.gather [hbm4b:s10+s2], $0x80, v3, vm0, $0xb8;
	[tilespmem:$0x10400] =	vst v63  }
0x47: {  	s24 =	simm.s32 $0x3C00;
	s25 =	simm.s32 $0x4400;
	s26 =	simm.s32 $0x4C00  }
0x48: {  	[tilespmem:s30], [sflag:$0x1] =	stream.indirect_vreg.gather [hbm4b:s11+s2], $0x80, v3, vm0, $0xb8;
	[tilespmem:$0x10400] =	vst v63  }
0x49: {  	s28 =	simm.s32 $0x5400;
	s29 =	simm.s32 $0x7C00;
	s30 =	simm.s32 $0x6400  }
.LBB2_2:
0x4a: {  	v3 =	vld [tilespmem:s13+$0x0];
	_ =	sdelay $0x4  }
0x4b: {  	v4 =	vshll.u32 v3, $0x4  }
0x4c: {  	v3 =	vand.u32 $0x7, v3;
	v4 =	vand.u32 $0xFFFFFF80, v4  }
0x4d: {  	v3 =	vor.u32 v3, v4  }
0x4e: {  	v4 =	vperm.xlane v3, v0;
	_ =	sdelay $0x1  }
0x4f: {  	v4 =	vadd.s32 v1, v4;
	_ =	sdelay $0x4  }
0x50: {  	[tilespmem:s1], [sflag:$0x2] =	stream.indirect_vreg.gather [hbm4b:s3+s2], $0x80, v4, vm0, $0xb8;
	[tilespmem:$0x10400] =	vst v63  }
0x51: {  	s17 =	rddreg [dreg:$0x3]  }
0x52: {  	[tilespmem:s17], [sflag:$0x2] =	stream.indirect_vreg.gather [hbm4b:s5+s2], $0x80, v4, vm0, $0xb8;
	[tilespmem:$0x10400] =	vst v63  }
0x53: {  	s18 =	rddreg [dreg:$0x4]  }
0x54: {  	[tilespmem:s18], [sflag:$0x2] =	stream.indirect_vreg.gather [hbm4b:s6+s2], $0x80, v4, vm0, $0xb8;
	[tilespmem:$0x10400] =	vst v63  }
0x55: {  	s17 =	rddreg [dreg:$0x5]  }
0x56: {  	[tilespmem:s17], [sflag:$0x2] =	stream.indirect_vreg.gather [hbm4b:s7+s2], $0x80, v4, vm0, $0xb8;
	[tilespmem:$0x10400] =	vst v63  }
0x57: {  	s18 =	rddreg [dreg:$0x6]  }
0x58: {  	[tilespmem:s18], [sflag:$0x2] =	stream.indirect_vreg.gather [hbm4b:s8+s2], $0x80, v4, vm0, $0xb8;
	[tilespmem:$0x10400] =	vst v63  }
0x59: {  	v3 =	vperm.xlane v3, v2;
	s17 =	rddreg [dreg:$0x7]  }
0x5a: {  	[tilespmem:s17], [sflag:$0x2] =	stream.indirect_vreg.gather [hbm4b:s9+s2], $0x80, v4, vm0, $0xb8;
	[tilespmem:$0x10400] =	vst v63  }
0x5b: {  	v3 =	vadd.s32 v1, v3;
	s18 =	rddreg [dreg:$0x8]  }
0x5c: {  	[tilespmem:s18], [sflag:$0x2] =	stream.indirect_vreg.gather [hbm4b:s10+s2], $0x80, v4, vm0, $0xb8;
	[tilespmem:$0x10400] =	vst v63  }
0x5d: {  	s17 =	rddreg [dreg:$0x9]  }
0x5e: {  	[tilespmem:s17], [sflag:$0x2] =	stream.indirect_vreg.gather [hbm4b:s11+s2], $0x80, v4, vm0, $0xb8;
	[tilespmem:$0x10400] =	vst v63  }
0x5f: {  	s18 =	rddreg [dreg:$0xa]  }
0x60: {  	[tilespmem:s18], [sflag:$0x2] =	stream.indirect_vreg.gather [hbm4b:s3+s2], $0x80, v3, vm0, $0xb8;
	[tilespmem:$0x10400] =	vst v63  }
0x61: {  	s17 =	rddreg [dreg:$0xb]  }
0x62: {  	[tilespmem:s17], [sflag:$0x2] =	stream.indirect_vreg.gather [hbm4b:s5+s2], $0x80, v3, vm0, $0xb8;
	[tilespmem:$0x10400] =	vst v63  }
0x63: {  	s18 =	rddreg [dreg:$0xc]  }
0x64: {  	[tilespmem:s18], [sflag:$0x2] =	stream.indirect_vreg.gather [hbm4b:s6+s2], $0x80, v3, vm0, $0xb8;
	[tilespmem:$0x10400] =	vst v63  }
0x65: {  	s17 =	rddreg [dreg:$0xd]  }
0x66: {  	[tilespmem:s17], [sflag:$0x2] =	stream.indirect_vreg.gather [hbm4b:s7+s2], $0x80, v3, vm0, $0xb8;
	[tilespmem:$0x10400] =	vst v63  }
0x67: {  	s18 =	rddreg [dreg:$0xe]  }
0x68: {  	[tilespmem:s18], [sflag:$0x2] =	stream.indirect_vreg.gather [hbm4b:s8+s2], $0x80, v3, vm0, $0xb8;
	[tilespmem:$0x10400] =	vst v63  }
0x69: {  	s17 =	rddreg [dreg:$0xf]  }
0x6a: {  	[tilespmem:s17], [sflag:$0x2] =	stream.indirect_vreg.gather [hbm4b:s9+s2], $0x80, v3, vm0, $0xb8;
	[tilespmem:$0x10400] =	vst v63  }
0x6b: {  	s18 =	rddreg [dreg:$0x10]  }
0x6c: {  	[tilespmem:s18], [sflag:$0x2] =	stream.indirect_vreg.gather [hbm4b:s10+s2], $0x80, v3, vm0, $0xb8;
	[tilespmem:$0x10400] =	vst v63  }
0x6d: {  	s17 =	rddreg [dreg:$0x11]  }
0x6e: {  	[tilespmem:s17], [sflag:$0x2] =	stream.indirect_vreg.gather [hbm4b:s11+s2], $0x80, v3, vm0, $0xb8;
	[tilespmem:$0x10400] =	vst v63  }
0x6f: {  	_ =	swait.ge [sflag:s0], $0x8000  }
0x70: {  	[sflag:s0] =	ssyncset.done $0x0  }
0x71: {  	[sflag:s0] =	ssyncadd.s32 $0xFFFF8000  }
0x72: {  	[hbm4b:s12+s2] =	stream.linear.scatter [tilespmem:s15], [sflag:$0x3], $0x8000, $0x38;
	[tilespmem:$0x10400] =	vst v63  }
0x73: {  	_ =	swait.ge [sflag:s14], $0x8000  }
0x74: {  	s17 =	smin.u32 s16, $0x3D;
	[sflag:s14] =	ssyncset.done $0x0  }
0x75: {  	s17 =	sshll.u32 s17, $0x4;
	[sflag:s14] =	ssyncadd.s32 $0xFFFF8000  }
0x76: {  	v3 =	vld [tilespmem:s17+$0x20];
	_ =	sdelay $0x4  }
0x77: {  	v63 =	vshll.u32 v3, $0x4  }
0x78: {  	v3 =	vand.u32 $0x7, v3;
	v4 =	vand.u32 $0xFFFFFF80, v63  }
0x79: {  	v3 =	vor.u32 v3, v4  }
0x7a: {  	v4 =	vperm.xlane v3, v0;
	_ =	sdelay $0x1  }
0x7b: {  	v4 =	vadd.s32 v1, v4;
	_ =	sdelay $0x4  }
0x7c: {  	[tilespmem:s15], [sflag:$0x1] =	stream.indirect_vreg.gather [hbm4b:s3+s2], $0x80, v4, vm0, $0xb8;
	[tilespmem:$0x10400] =	vst v63  }
0x7d: {  	s18 =	simm.s32 $0xC00  }
0x7e: {  	[tilespmem:s18], [sflag:$0x1] =	stream.indirect_vreg.gather [hbm4b:s5+s2], $0x80, v4, vm0, $0xb8;
	[tilespmem:$0x10400] =	vst v63  }
0x7f: {  	_ = 	snop  }
0x80: {  	[tilespmem:s19], [sflag:$0x1] =	stream.indirect_vreg.gather [hbm4b:s6+s2], $0x80, v4, vm0, $0xb8;
	[tilespmem:$0x10400] =	vst v63  }
0x81: {  	_ = 	snop  }
0x82: {  	[tilespmem:s20], [sflag:$0x1] =	stream.indirect_vreg.gather [hbm4b:s7+s2], $0x80, v4, vm0, $0xb8;
	[tilespmem:$0x10400] =	vst v63  }
0x83: {  	_ = 	snop  }
0x84: {  	[tilespmem:s21], [sflag:$0x1] =	stream.indirect_vreg.gather [hbm4b:s8+s2], $0x80, v4, vm0, $0xb8;
	[tilespmem:$0x10400] =	vst v63  }
0x85: {  	s17 =	simm.s32 $0x2C00;
	v3 =	vperm.xlane v3, v2  }
0x86: {  	[tilespmem:s17], [sflag:$0x1] =	stream.indirect_vreg.gather [hbm4b:s9+s2], $0x80, v4, vm0, $0xb8;
	[tilespmem:$0x10400] =	vst v63  }
0x87: {  	v3 =	vadd.s32 v1, v3  }
0x88: {  	[tilespmem:s23], [sflag:$0x1] =	stream.indirect_vreg.gather [hbm4b:s10+s2], $0x80, v4, vm0, $0xb8;
	[tilespmem:$0x10400] =	vst v63  }
0x89: {  	_ = 	snop  }
0x8a: {  	[tilespmem:s24], [sflag:$0x1] =	stream.indirect_vreg.gather [hbm4b:s11+s2], $0x80, v4, vm0, $0xb8;
	[tilespmem:$0x10400] =	vst v63  }
0x8b: {  	_ = 	snop  }
0x8c: {  	[tilespmem:s25], [sflag:$0x1] =	stream.indirect_vreg.gather [hbm4b:s3+s2], $0x80, v3, vm0, $0xb8;
	[tilespmem:$0x10400] =	vst v63  }
0x8d: {  	_ = 	snop  }
0x8e: {  	[tilespmem:s26], [sflag:$0x1] =	stream.indirect_vreg.gather [hbm4b:s5+s2], $0x80, v3, vm0, $0xb8;
	[tilespmem:$0x10400] =	vst v63  }
0x8f: {  	_ = 	snop  }
0x90: {  	[tilespmem:s28], [sflag:$0x1] =	stream.indirect_vreg.gather [hbm4b:s6+s2], $0x80, v3, vm0, $0xb8;
	[tilespmem:$0x10400] =	vst v63  }
0x91: {  	s17 =	simm.s32 $0x5C00  }
0x92: {  	[tilespmem:s17], [sflag:$0x1] =	stream.indirect_vreg.gather [hbm4b:s7+s2], $0x80, v3, vm0, $0xb8;
	[tilespmem:$0x10400] =	vst v63  }
0x93: {  	_ = 	snop  }
0x94: {  	[tilespmem:s30], [sflag:$0x1] =	stream.indirect_vreg.gather [hbm4b:s8+s2], $0x80, v3, vm0, $0xb8;
	[tilespmem:$0x10400] =	vst v63  }
0x95: {  	_ = 	snop  }
0x96: {  	[tilespmem:s31], [sflag:$0x1] =	stream.indirect_vreg.gather [hbm4b:s9+s2], $0x80, v3, vm0, $0xb8;
	[tilespmem:$0x10400] =	vst v63  }
0x97: {  	_ = 	snop  }
0x98: {  	[tilespmem:s22], [sflag:$0x1] =	stream.indirect_vreg.gather [hbm4b:s10+s2], $0x80, v3, vm0, $0xb8;
	[tilespmem:$0x10400] =	vst v63  }
0x99: {  	_ = 	snop  }
0x9a: {  	[tilespmem:s29], [sflag:$0x1] =	stream.indirect_vreg.gather [hbm4b:s11+s2], $0x80, v3, vm0, $0xb8;
	[tilespmem:$0x10400] =	vst v63  }
0x9b: {  	_ =	swait.ge [sflag:s4], $0x8000  }
0x9c: {  	p0 =	sne.s32 s16, $0x3E;
	[sflag:s4] =	ssyncset.done $0x0  }
.Ltmp0:
0x9d: {  	s17 =	sadd.s32 $0x1000, s12;
	[sflag:s4] =	ssyncadd.s32 $0xFFFF8000;
	(pc) =	sbr.rel @p0 .LBB2_2-.Ltmp0, $4  }
0x9e: {  	[hbm4b:s17+s2] =	stream.linear.scatter [tilespmem:s1], [sflag:$0x3], $0x8000, $0x38;
	[tilespmem:$0x10400] =	vst v63  }
0x9f: {  	_ =	swait.ge [sflag:s14], $0x8000  }
0xa0: {  	s13 =	sadd.s32 $0x20, s13;
	[sflag:s14] =	ssyncset.done $0x0  }
0xa1: {  	s16 =	sadd.s32 $0x2, s16;
	s12 =	sadd.s32 $0x2000, s12;
	[sflag:s14] =	ssyncadd.s32 $0xFFFF8000  }
0xa2: {  	_ =	swait.ge [sflag:s0], $0x8000  }
0xa3: {  	s31 =	rddreg [dreg:$0x15]  }
0xa4: {  	s12 =	rddreg [dreg:$0x13];
	s31 =	sadd.s32 $0x1, s31  }
0xa5: {  	s13 =	simm.s32 $0x1400;
	s16 =	simm.s32 $0x1C00;
	p0 =	sne.s32 s31, s12  }
.Ltmp1:
0xa6: {  	s17 =	simm.s32 $0x2400;
	s19 =	simm.s32 $0x2C00;
	(pc) =	sbr.rel @p0 .LBB2_1-.Ltmp1, $4  }
0xa7: {  	s20 =	simm.s32 $0x3400;
	s21 =	simm.s32 $0x3C00;
	s22 =	simm.s32 $0x4400  }
0xa8: {  	s23 =	simm.s32 $0x4C00;
	s24 =	simm.s32 $0x5400;
	s25 =	simm.s32 $0x5C00  }
0xa9: {  	s26 =	simm.s32 $0x6400;
	s28 =	simm.s32 $0x6C00;
	[sflag:s0] =	ssyncset.done $0x0  }
0xaa: {  	s29 =	simm.s32 $0x7400;
	s30 =	simm.s32 $0x7C00;
	[sflag:s0] =	ssyncadd.s32 $0xFFFF8000  }
0xab: {  	_ =	sfence.sel $0x180000  }
0xac: {  	[bflag:$0x0] =	sbarrier.arrive $0xFFFF  }
0xad: {  	_ =	strace $0x90000047  }
0xae: {  	s0 =	stileid.u32;
	[bflag:$0x2] =	sbarrier.arrive $0xFFFF  }
0xaf: {  	p0 =	sne.s32 s0, $0x0;
	s0 =	rddreg [dreg:$0x2]  }
0xb0: {  	s0 =	sadd.s32 @!p0 $0x100000, s0  }
0xb1: {  	[sflag:s0] =	ssyncadd.tile.s32 @!p0 $0x1;
	_ =	shalt  }
.Lfunc_end2:
_tile_overlayer_lowered:
.L_overlay_start_2:
0xb2: {  	(tag) =	ssettag $0x2  }
0xb3: {  	s0 =	rddreg [dreg:$0x0];
	s2 =	stileid.u32  }
0xb4: {  	s1 =	rddreg [dreg:$0x1];
	p0 =	sne.s32 s2, $0x0  }
0xb5: {  	s3 =	rddreg [dreg:$0x2];
	[bflag:$0x3] =	sbarrier.arrive $0xFFFF;
	s2 =	simm.s32 @!p0 $0x1C03  }
0xb6: {  	[timem:s3], [sflag:s2] =	dma.local @!p0 [hbm:s0], s1  }
0xb7: {  	s0 =	simm.s32 @!p0 $0x3  }
0xb8: {  	_ =	swait.ge @!p0 [sflag:s0], s1  }
0xb9: {  	s1 =	ssub.s32 @!p0 $0x0, s1;
	[sflag:s0] =	ssyncset.done @!p0 $0x0  }
0xba: {  	[sflag:s0] =	ssyncadd.s32 @!p0 s1  }
0xbb: {  	[bflag:$0x3] =	sbarrier.arrive $0xFFFF  }
0xbc: {  	_ =	shalt  }

</sc_bundles>
